<compile_context>
chip_gen: v7x
topology: tpu7x:2x2x1
jax: 0.10.2.dev20260603
libtpu: 0.0.44.dev20260713+nightly
codegen_flags: <defaults>
</compile_context>

<pallas_src>
import jax
import jax.numpy as jnp
from jax.experimental import pallas as pl
from jax.experimental.pallas import tpu as pltpu

_RB = 1024
_BF = jnp.bfloat16
_F = jnp.float32


def _proj_body(scales_ref, ks_ref, rt_ref, rtb_ref, rays_ref, dep_ref,
               idx_ref, ox_ref, oy_ref, oz_ref):
    v = pl.program_id(1)
    k = [[ks_ref[v, i, j] for j in range(3)] for i in range(3)]
    rt = [[rt_ref[v, i, j] for j in range(4)] for i in range(3)]
    rtb = [rtb_ref[v, 2, j] for j in range(3)]
    m = [[(k[i][0] * rt[0][j] + k[i][1] * rt[1][j]) + k[i][2] * rt[2][j]
          for j in range(4)] for i in range(2)]
    sx = scales_ref[0]
    sy = scales_ref[1]

    ox = rays_ref[:, 0:1]
    oy = rays_ref[:, 1:2]
    oz = rays_ref[:, 2:3]
    dx = rays_ref[:, 3:4]
    dy = rays_ref[:, 4:5]
    dz = rays_ref[:, 5:6]

    A0 = ((m[0][0] * ox + m[0][1] * oy) + m[0][2] * oz) + m[0][3]
    B0 = (m[0][0] * dx + m[0][1] * dy) + m[0][2] * dz
    A1 = ((m[1][0] * ox + m[1][1] * oy) + m[1][2] * oz) + m[1][3]
    B1 = (m[1][0] * dx + m[1][1] * dy) + m[1][2] * dz

    dep = dep_ref[...]

    x0 = (ox + dx * dep).astype(_BF).astype(_F)
    x1 = (oy + dy * dep).astype(_BF).astype(_F)
    x2 = (oz + dz * dep).astype(_BF).astype(_F)
    cam_z = ((rtb[0] * x0 + rtb[1] * x1) + rtb[2] * x2) + rt[2][3]
    z = cam_z.astype(_BF).astype(_F)

    z_safe = jnp.where(jnp.abs(z) > 1e-6, z, 1e-6)
    inv = 1.0 / z_safe
    u = A0 + B0 * dep
    w = A1 + B1 * dep
    xn = (u * inv) * sx - 1.0
    yn = (w * inv) * sy - 1.0
    valid = idx_ref[...] >= 0
    ox_ref[0] = jnp.where(valid, xn, -2.0)
    oy_ref[0] = jnp.where(valid, yn, -2.0)
    oz_ref[0] = jnp.where(valid, z, 0.0)


def kernel(_ray_ori, _ray_dir, _sampled_depths, _sampled_idx, Ks, RTs,
           _ori_w, _ori_h, _num_views):
    B, R, S = _sampled_depths.shape
    V = Ks.shape[0] * Ks.shape[1] // B
    o = _ray_ori.reshape(R, 3)
    d = _ray_dir.reshape(R, 3)
    dep = _sampled_depths.reshape(R, S)
    idx = _sampled_idx.reshape(R, S)
    rays = jnp.concatenate([o, d], axis=1)
    ks = Ks.reshape(V, 3, 3)
    rt = RTs.reshape(V, 3, 4)
    rtb = rt.astype(_BF).astype(_F)
    w = jnp.asarray(_ori_w, _F)
    h = jnp.asarray(_ori_h, _F)
    scales = jnp.stack([2.0 / (w - 1.0), 2.0 / (h - 1.0)])

    rb = min(_RB, R)
    grid = (R // rb, V)
    xn, yn, z = pl.pallas_call(
        _proj_body,
        grid=grid,
        in_specs=[
            pl.BlockSpec(memory_space=pltpu.SMEM),
            pl.BlockSpec(memory_space=pltpu.SMEM),
            pl.BlockSpec(memory_space=pltpu.SMEM),
            pl.BlockSpec(memory_space=pltpu.SMEM),
            pl.BlockSpec((rb, 6), lambda r, v: (r, 0)),
            pl.BlockSpec((rb, S), lambda r, v: (r, 0)),
            pl.BlockSpec((rb, S), lambda r, v: (r, 0)),
        ],
        out_specs=[
            pl.BlockSpec((1, rb, S), lambda r, v: (v, r, 0)),
            pl.BlockSpec((1, rb, S), lambda r, v: (v, r, 0)),
            pl.BlockSpec((1, rb, S), lambda r, v: (v, r, 0)),
        ],
        out_shape=[
            jax.ShapeDtypeStruct((V, R, S), _F),
            jax.ShapeDtypeStruct((V, R, S), _F),
            jax.ShapeDtypeStruct((V, R, S), _F),
        ],
    )(scales, ks, rt, rtb, rays, dep, idx)
    proj_xy = jnp.stack([xn, yn], axis=-1)[None]
    proj_z = z[None, :, :, :, None]
    return proj_xy, proj_z

# --- scband reference (transcript-rebuilt; emitter-appended) ---
"""Pipeline reference for scband-oc-tree-options-88450556494134 (READ-ONLY COPY).

The authoritative reference and input builder live on the scoring server;
editing this copy changes nothing except your own understanding.
"""

import jax, jax.numpy as jnp
import numpy as np

B, R, S, V = 1, 4096, 128, 8


def _make_cameras(key, b, v, w, h):
    k1, k2, k3 = jax.random.split(key, 3)
    f = 500.0 + 100.0 * jax.random.uniform(k1, (b, v))
    zeros = jnp.zeros((b, v))
    ones = jnp.ones((b, v))
    Ks = jnp.stack([
        jnp.stack([f, zeros, jnp.full((b, v), w / 2.0)], -1),
        jnp.stack([zeros, f, jnp.full((b, v), h / 2.0)], -1),
        jnp.stack([zeros, zeros, ones], -1),
    ], -2)  # [b, v, 3, 3]
    A = jax.random.normal(k2, (b, v, 3, 3))
    Q, _ = jnp.linalg.qr(A)  # random rotations
    t = 0.5 * jax.random.normal(k3, (b, v, 3, 1))
    RTs = jnp.concatenate([Q, t], axis=-1)  # [b, v, 3, 4]
    return Ks.astype(jnp.float32), RTs.astype(jnp.float32)


def setup_inputs(seed: int = 0):
    key = jax.random.key(seed)
    ks = jax.random.split(key, 6)
    ray_ori = jax.random.normal(ks[0], (B, R, 3), dtype=jnp.float32)
    d = jax.random.normal(ks[1], (B, R, 3), dtype=jnp.float32)
    ray_dir = d / (jnp.linalg.norm(d, axis=-1, keepdims=True) + 1e-8)
    depths = jax.random.uniform(ks[2], (B, R, S), minval=0.1, maxval=6.0, dtype=jnp.float32)
    sampled_depths = jnp.sort(depths, axis=-1)
    sampled_idx = jax.random.randint(ks[3], (B, R, S), 0, 262144, dtype=jnp.int32)
    Ks, RTs = _make_cameras(ks[4], B, V, 640, 480)
    return {
        "_ray_ori": ray_ori,
        "_ray_dir": ray_dir,
        "_sampled_depths": sampled_depths,
        "_sampled_idx": sampled_idx,
        "Ks": Ks,
        "RTs": RTs,
        "_ori_w": 640,
        "_ori_h": 480,
        "_num_views": 8,
    }


def reference(_ray_ori, _ray_dir, _sampled_depths, _sampled_idx, Ks, RTs, _ori_w, _ori_h, _num_views):
    # Faithful jax model of OcTreeOptions.project_sampled_xyz:
    # reconstruct sampled xyz along each ray, transform into each of
    # _num_views camera frames with RTs, project with intrinsics Ks,
    # normalize pixel coords to [-1, 1], mask samples with idx < 0.
    Ks = Ks.reshape(Ks.shape[0], -1, 3, 3)
    RTs = RTs.reshape(RTs.shape[0], -1, 3, 4)
    # [B, R, S, 3]
    xyz = _ray_ori[:, :, None, :] + _ray_dir[:, :, None, :] * _sampled_depths[..., None]
    # world -> camera: [B, V, R, S, 3]
    cam = jnp.einsum('bvij,brsj->bvrsi', RTs[..., :3], xyz) + RTs[..., 3][:, :, None, None, :]
    # pinhole projection
    uvh = jnp.einsum('bvij,bvrsj->bvrsi', Ks, cam)
    z = uvh[..., 2:3]
    z_safe = jnp.where(jnp.abs(z) > 1e-6, z, 1e-6)
    xy = uvh[..., :2] / z_safe
    x_n = 2.0 * xy[..., 0:1] / (_ori_w - 1) - 1.0
    y_n = 2.0 * xy[..., 1:2] / (_ori_h - 1) - 1.0
    proj_xy = jnp.concatenate([x_n, y_n], axis=-1)  # [B, V, R, S, 2]
    valid = (_sampled_idx >= 0)[:, None, :, :, None]  # [B, 1, R, S, 1]
    proj_xy = jnp.where(valid, proj_xy, -2.0)
    proj_z = jnp.where(valid, z, 0.0)  # [B, V, R, S, 1]
    return proj_xy, proj_z

if __name__ == "__main__":
    import jax
    _d = setup_inputs()
    print(jax.jit(kernel)(*tuple(_d.values())))

</pallas_src>

<mosaic_0001>
module attributes {stable_mosaic.version = 14 : i64} {
  func.func @_proj_body(%arg0: i32, %arg1: i32, %arg2: memref<2xf32, #tpu.memory_space<smem>>, %arg3: memref<8x3x3xf32, #tpu.memory_space<smem>>, %arg4: memref<8x3x4xf32, #tpu.memory_space<smem>>, %arg5: memref<8x3x4xf32, #tpu.memory_space<smem>>, %arg6: memref<1024x6xf32, #tpu.memory_space<vmem>>, %arg7: memref<1024x128xf32, #tpu.memory_space<vmem>>, %arg8: memref<1024x128xi32, #tpu.memory_space<vmem>>, %arg9: memref<1x1024x128xf32, #tpu.memory_space<vmem>>, %arg10: memref<1x1024x128xf32, #tpu.memory_space<vmem>>, %arg11: memref<1x1024x128xf32, #tpu.memory_space<vmem>>) attributes {dimension_semantics = [#tpu.dimension_semantics<arbitrary>, #tpu.dimension_semantics<arbitrary>], iteration_bounds = array<i64: 4, 8>, scalar_prefetch = 0 : i64, scratch_operands = 0 : i64, tpu.core_type = #tpu.core_type<tc>, window_params = [{transform_indices = @transform_0, window_bounds = array<i64: 2>}, {transform_indices = @transform_1, window_bounds = array<i64: 8, 3, 3>}, {transform_indices = @transform_2, window_bounds = array<i64: 8, 3, 4>}, {transform_indices = @transform_3, window_bounds = array<i64: 8, 3, 4>}, {transform_indices = @transform_4, window_bounds = array<i64: 1024, 6>}, {transform_indices = @transform_5, window_bounds = array<i64: 1024, 128>}, {transform_indices = @transform_6, window_bounds = array<i64: 1024, 128>}, {transform_indices = @transform_7, window_bounds = array<i64: 1, 1024, 128>}, {transform_indices = @transform_8, window_bounds = array<i64: 1, 1024, 128>}, {transform_indices = @transform_9, window_bounds = array<i64: 1, 1024, 128>}]} {
    %get3A = arith.index_cast %arg1 : i32 to index
    %get3A_0 = arith.constant 0 : index
    %get3A_1 = arith.constant 0 : index
    %get3A_2 = memref.load %arg3[%get3A, %get3A_0, %get3A_1] : memref<8x3x3xf32, #tpu.memory_space<smem>>
    %get3A_3 = arith.index_cast %arg1 : i32 to index
    %get3A_4 = arith.constant 0 : index
    %get3A_5 = arith.constant 1 : index
    %get3A_6 = memref.load %arg3[%get3A_3, %get3A_4, %get3A_5] : memref<8x3x3xf32, #tpu.memory_space<smem>>
    %get3A_7 = arith.index_cast %arg1 : i32 to index
    %get3A_8 = arith.constant 0 : index
    %get3A_9 = arith.constant 2 : index
    %get3A_10 = memref.load %arg3[%get3A_7, %get3A_8, %get3A_9] : memref<8x3x3xf32, #tpu.memory_space<smem>>
    %get3A_11 = arith.index_cast %arg1 : i32 to index
    %get3A_12 = arith.constant 1 : index
    %get3A_13 = arith.constant 0 : index
    %get3A_14 = memref.load %arg3[%get3A_11, %get3A_12, %get3A_13] : memref<8x3x3xf32, #tpu.memory_space<smem>>
    %get3A_15 = arith.index_cast %arg1 : i32 to index
    %get3A_16 = arith.constant 1 : index
    %get3A_17 = arith.constant 1 : index
    %get3A_18 = memref.load %arg3[%get3A_15, %get3A_16, %get3A_17] : memref<8x3x3xf32, #tpu.memory_space<smem>>
    %get3A_19 = arith.index_cast %arg1 : i32 to index
    %get3A_20 = arith.constant 1 : index
    %get3A_21 = arith.constant 2 : index
    %get3A_22 = memref.load %arg3[%get3A_19, %get3A_20, %get3A_21] : memref<8x3x3xf32, #tpu.memory_space<smem>>
    %get3A_23 = arith.index_cast %arg1 : i32 to index
    %get3A_24 = arith.constant 0 : index
    %get3A_25 = arith.constant 0 : index
    %get3A_26 = memref.load %arg4[%get3A_23, %get3A_24, %get3A_25] : memref<8x3x4xf32, #tpu.memory_space<smem>>
    %get3A_27 = arith.index_cast %arg1 : i32 to index
    %get3A_28 = arith.constant 0 : index
    %get3A_29 = arith.constant 1 : index
    %get3A_30 = memref.load %arg4[%get3A_27, %get3A_28, %get3A_29] : memref<8x3x4xf32, #tpu.memory_space<smem>>
    %get3A_31 = arith.index_cast %arg1 : i32 to index
    %get3A_32 = arith.constant 0 : index
    %get3A_33 = arith.constant 2 : index
    %get3A_34 = memref.load %arg4[%get3A_31, %get3A_32, %get3A_33] : memref<8x3x4xf32, #tpu.memory_space<smem>>
    %get3A_35 = arith.index_cast %arg1 : i32 to index
    %get3A_36 = arith.constant 0 : index
    %get3A_37 = arith.constant 3 : index
    %get3A_38 = memref.load %arg4[%get3A_35, %get3A_36, %get3A_37] : memref<8x3x4xf32, #tpu.memory_space<smem>>
    %get3A_39 = arith.index_cast %arg1 : i32 to index
    %get3A_40 = arith.constant 1 : index
    %get3A_41 = arith.constant 0 : index
    %get3A_42 = memref.load %arg4[%get3A_39, %get3A_40, %get3A_41] : memref<8x3x4xf32, #tpu.memory_space<smem>>
    %get3A_43 = arith.index_cast %arg1 : i32 to index
    %get3A_44 = arith.constant 1 : index
    %get3A_45 = arith.constant 1 : index
    %get3A_46 = memref.load %arg4[%get3A_43, %get3A_44, %get3A_45] : memref<8x3x4xf32, #tpu.memory_space<smem>>
    %get3A_47 = arith.index_cast %arg1 : i32 to index
    %get3A_48 = arith.constant 1 : index
    %get3A_49 = arith.constant 2 : index
    %get3A_50 = memref.load %arg4[%get3A_47, %get3A_48, %get3A_49] : memref<8x3x4xf32, #tpu.memory_space<smem>>
    %get3A_51 = arith.index_cast %arg1 : i32 to index
    %get3A_52 = arith.constant 1 : index
    %get3A_53 = arith.constant 3 : index
    %get3A_54 = memref.load %arg4[%get3A_51, %get3A_52, %get3A_53] : memref<8x3x4xf32, #tpu.memory_space<smem>>
    %get3A_55 = arith.index_cast %arg1 : i32 to index
    %get3A_56 = arith.constant 2 : index
    %get3A_57 = arith.constant 0 : index
    %get3A_58 = memref.load %arg4[%get3A_55, %get3A_56, %get3A_57] : memref<8x3x4xf32, #tpu.memory_space<smem>>
    %get3A_59 = arith.index_cast %arg1 : i32 to index
    %get3A_60 = arith.constant 2 : index
    %get3A_61 = arith.constant 1 : index
    %get3A_62 = memref.load %arg4[%get3A_59, %get3A_60, %get3A_61] : memref<8x3x4xf32, #tpu.memory_space<smem>>
    %get3A_63 = arith.index_cast %arg1 : i32 to index
    %get3A_64 = arith.constant 2 : index
    %get3A_65 = arith.constant 2 : index
    %get3A_66 = memref.load %arg4[%get3A_63, %get3A_64, %get3A_65] : memref<8x3x4xf32, #tpu.memory_space<smem>>
    %get3A_67 = arith.index_cast %arg1 : i32 to index
    %get3A_68 = arith.constant 2 : index
    %get3A_69 = arith.constant 3 : index
    %get3A_70 = memref.load %arg4[%get3A_67, %get3A_68, %get3A_69] : memref<8x3x4xf32, #tpu.memory_space<smem>>
    %get3A_71 = arith.index_cast %arg1 : i32 to index
    %get3A_72 = arith.constant 2 : index
    %get3A_73 = arith.constant 0 : index
    %get3A_74 = memref.load %arg5[%get3A_71, %get3A_72, %get3A_73] : memref<8x3x4xf32, #tpu.memory_space<smem>>
    %get3A_75 = arith.index_cast %arg1 : i32 to index
    %get3A_76 = arith.constant 2 : index
    %get3A_77 = arith.constant 1 : index
    %get3A_78 = memref.load %arg5[%get3A_75, %get3A_76, %get3A_77] : memref<8x3x4xf32, #tpu.memory_space<smem>>
    %get3A_79 = arith.index_cast %arg1 : i32 to index
    %get3A_80 = arith.constant 2 : index
    %get3A_81 = arith.constant 2 : index
    %get3A_82 = memref.load %arg5[%get3A_79, %get3A_80, %get3A_81] : memref<8x3x4xf32, #tpu.memory_space<smem>>
    %mul3A = arith.mulf %get3A_2, %get3A_26 : f32
    %mul3A_83 = arith.mulf %get3A_6, %get3A_42 : f32
    %add3A = arith.addf %mul3A, %mul3A_83 : f32
    %mul3A_84 = arith.mulf %get3A_10, %get3A_58 : f32
    %add3A_85 = arith.addf %add3A, %mul3A_84 : f32
    %mul3A_86 = arith.mulf %get3A_2, %get3A_30 : f32
    %mul3A_87 = arith.mulf %get3A_6, %get3A_46 : f32
    %add3A_88 = arith.addf %mul3A_86, %mul3A_87 : f32
    %mul3A_89 = arith.mulf %get3A_10, %get3A_62 : f32
    %add3A_90 = arith.addf %add3A_88, %mul3A_89 : f32
    %mul3A_91 = arith.mulf %get3A_2, %get3A_34 : f32
    %mul3A_92 = arith.mulf %get3A_6, %get3A_50 : f32
    %add3A_93 = arith.addf %mul3A_91, %mul3A_92 : f32
    %mul3A_94 = arith.mulf %get3A_10, %get3A_66 : f32
    %add3A_95 = arith.addf %add3A_93, %mul3A_94 : f32
    %mul3A_96 = arith.mulf %get3A_2, %get3A_38 : f32
    %mul3A_97 = arith.mulf %get3A_6, %get3A_54 : f32
    %add3A_98 = arith.addf %mul3A_96, %mul3A_97 : f32
    %mul3A_99 = arith.mulf %get3A_10, %get3A_70 : f32
    %add3A_100 = arith.addf %add3A_98, %mul3A_99 : f32
    %mul3A_101 = arith.mulf %get3A_14, %get3A_26 : f32
    %mul3A_102 = arith.mulf %get3A_18, %get3A_42 : f32
    %add3A_103 = arith.addf %mul3A_101, %mul3A_102 : f32
    %mul3A_104 = arith.mulf %get3A_22, %get3A_58 : f32
    %add3A_105 = arith.addf %add3A_103, %mul3A_104 : f32
    %mul3A_106 = arith.mulf %get3A_14, %get3A_30 : f32
    %mul3A_107 = arith.mulf %get3A_18, %get3A_46 : f32
    %add3A_108 = arith.addf %mul3A_106, %mul3A_107 : f32
    %mul3A_109 = arith.mulf %get3A_22, %get3A_62 : f32
    %add3A_110 = arith.addf %add3A_108, %mul3A_109 : f32
    %mul3A_111 = arith.mulf %get3A_14, %get3A_34 : f32
    %mul3A_112 = arith.mulf %get3A_18, %get3A_50 : f32
    %add3A_113 = arith.addf %mul3A_111, %mul3A_112 : f32
    %mul3A_114 = arith.mulf %get3A_22, %get3A_66 : f32
    %add3A_115 = arith.addf %add3A_113, %mul3A_114 : f32
    %mul3A_116 = arith.mulf %get3A_14, %get3A_38 : f32
    %mul3A_117 = arith.mulf %get3A_18, %get3A_54 : f32
    %add3A_118 = arith.addf %mul3A_116, %mul3A_117 : f32
    %mul3A_119 = arith.mulf %get3A_22, %get3A_70 : f32
    %add3A_120 = arith.addf %add3A_118, %mul3A_119 : f32
    %get3A_121 = arith.constant 0 : index
    %get3A_122 = memref.load %arg2[%get3A_121] : memref<2xf32, #tpu.memory_space<smem>>
    %get3A_123 = arith.constant 1 : index
    %get3A_124 = memref.load %arg2[%get3A_123] : memref<2xf32, #tpu.memory_space<smem>>
    %get3A_125 = arith.constant 0 : index
    %get3A_126 = arith.constant 0 : index
    %get3A_127 = vector.load %arg6[%get3A_125, %get3A_126] : memref<1024x6xf32, #tpu.memory_space<vmem>>, vector<1024x1xf32>
    %get3A_128 = arith.constant 0 : index
    %get3A_129 = arith.constant 1 : index
    %get3A_130 = vector.load %arg6[%get3A_128, %get3A_129] : memref<1024x6xf32, #tpu.memory_space<vmem>>, vector<1024x1xf32>
    %get3A_131 = arith.constant 0 : index
    %get3A_132 = arith.constant 2 : index
    %get3A_133 = vector.load %arg6[%get3A_131, %get3A_132] : memref<1024x6xf32, #tpu.memory_space<vmem>>, vector<1024x1xf32>
    %get3A_134 = arith.constant 0 : index
    %get3A_135 = arith.constant 3 : index
    %get3A_136 = vector.load %arg6[%get3A_134, %get3A_135] : memref<1024x6xf32, #tpu.memory_space<vmem>>, vector<1024x1xf32>
    %get3A_137 = arith.constant 0 : index
    %get3A_138 = arith.constant 4 : index
    %get3A_139 = vector.load %arg6[%get3A_137, %get3A_138] : memref<1024x6xf32, #tpu.memory_space<vmem>>, vector<1024x1xf32>
    %get3A_140 = arith.constant 0 : index
    %get3A_141 = arith.constant 5 : index
    %get3A_142 = vector.load %arg6[%get3A_140, %get3A_141] : memref<1024x6xf32, #tpu.memory_space<vmem>>, vector<1024x1xf32>
    %mul3A_143 = vector.broadcast %add3A_85 : f32 to vector<1024x1xf32>
    %mul3A_144 = arith.mulf %mul3A_143, %get3A_127 : vector<1024x1xf32>
    %mul3A_145 = vector.broadcast %add3A_90 : f32 to vector<1024x1xf32>
    %mul3A_146 = arith.mulf %mul3A_145, %get3A_130 : vector<1024x1xf32>
    %add3A_147 = arith.addf %mul3A_144, %mul3A_146 : vector<1024x1xf32>
    %mul3A_148 = vector.broadcast %add3A_95 : f32 to vector<1024x1xf32>
    %mul3A_149 = arith.mulf %mul3A_148, %get3A_133 : vector<1024x1xf32>
    %add3A_150 = arith.addf %add3A_147, %mul3A_149 : vector<1024x1xf32>
    %add3A_151 = vector.broadcast %add3A_100 : f32 to vector<1024x1xf32>
    %add3A_152 = arith.addf %add3A_150, %add3A_151 : vector<1024x1xf32>
    %mul3A_153 = vector.broadcast %add3A_85 : f32 to vector<1024x1xf32>
    %mul3A_154 = arith.mulf %mul3A_153, %get3A_136 : vector<1024x1xf32>
    %mul3A_155 = vector.broadcast %add3A_90 : f32 to vector<1024x1xf32>
    %mul3A_156 = arith.mulf %mul3A_155, %get3A_139 : vector<1024x1xf32>
    %add3A_157 = arith.addf %mul3A_154, %mul3A_156 : vector<1024x1xf32>
    %mul3A_158 = vector.broadcast %add3A_95 : f32 to vector<1024x1xf32>
    %mul3A_159 = arith.mulf %mul3A_158, %get3A_142 : vector<1024x1xf32>
    %add3A_160 = arith.addf %add3A_157, %mul3A_159 : vector<1024x1xf32>
    %mul3A_161 = vector.broadcast %add3A_105 : f32 to vector<1024x1xf32>
    %mul3A_162 = arith.mulf %mul3A_161, %get3A_127 : vector<1024x1xf32>
    %mul3A_163 = vector.broadcast %add3A_110 : f32 to vector<1024x1xf32>
    %mul3A_164 = arith.mulf %mul3A_163, %get3A_130 : vector<1024x1xf32>
    %add3A_165 = arith.addf %mul3A_162, %mul3A_164 : vector<1024x1xf32>
    %mul3A_166 = vector.broadcast %add3A_115 : f32 to vector<1024x1xf32>
    %mul3A_167 = arith.mulf %mul3A_166, %get3A_133 : vector<1024x1xf32>
    %add3A_168 = arith.addf %add3A_165, %mul3A_167 : vector<1024x1xf32>
    %add3A_169 = vector.broadcast %add3A_120 : f32 to vector<1024x1xf32>
    %add3A_170 = arith.addf %add3A_168, %add3A_169 : vector<1024x1xf32>
    %mul3A_171 = vector.broadcast %add3A_105 : f32 to vector<1024x1xf32>
    %mul3A_172 = arith.mulf %mul3A_171, %get3A_136 : vector<1024x1xf32>
    %mul3A_173 = vector.broadcast %add3A_110 : f32 to vector<1024x1xf32>
    %mul3A_174 = arith.mulf %mul3A_173, %get3A_139 : vector<1024x1xf32>
    %add3A_175 = arith.addf %mul3A_172, %mul3A_174 : vector<1024x1xf32>
    %mul3A_176 = vector.broadcast %add3A_115 : f32 to vector<1024x1xf32>
    %mul3A_177 = arith.mulf %mul3A_176, %get3A_142 : vector<1024x1xf32>
    %add3A_178 = arith.addf %add3A_175, %mul3A_177 : vector<1024x1xf32>
    %get3A_179 = arith.constant 0 : index
    %get3A_180 = arith.constant 0 : index
    %get3A_181 = vector.load %arg7[%get3A_179, %get3A_180] : memref<1024x128xf32, #tpu.memory_space<vmem>>, vector<1024x128xf32>
    %mul3A_182 = vector.broadcast %get3A_136 : vector<1024x1xf32> to vector<1024x128xf32>
    %mul3A_183 = arith.mulf %mul3A_182, %get3A_181 : vector<1024x128xf32>
    %add3A_184 = vector.broadcast %get3A_127 : vector<1024x1xf32> to vector<1024x128xf32>
    %add3A_185 = arith.addf %add3A_184, %mul3A_183 : vector<1024x128xf32>
    %convert_element_type3A = arith.truncf %add3A_185 : vector<1024x128xf32> to vector<1024x128xbf16>
    %convert_element_type3A_186 = arith.extf %convert_element_type3A : vector<1024x128xbf16> to vector<1024x128xf32>
    %mul3A_187 = vector.broadcast %get3A_139 : vector<1024x1xf32> to vector<1024x128xf32>
    %mul3A_188 = arith.mulf %mul3A_187, %get3A_181 : vector<1024x128xf32>
    %add3A_189 = vector.broadcast %get3A_130 : vector<1024x1xf32> to vector<1024x128xf32>
    %add3A_190 = arith.addf %add3A_189, %mul3A_188 : vector<1024x128xf32>
    %convert_element_type3A_191 = arith.truncf %add3A_190 : vector<1024x128xf32> to vector<1024x128xbf16>
    %convert_element_type3A_192 = arith.extf %convert_element_type3A_191 : vector<1024x128xbf16> to vector<1024x128xf32>
    %mul3A_193 = vector.broadcast %get3A_142 : vector<1024x1xf32> to vector<1024x128xf32>
    %mul3A_194 = arith.mulf %mul3A_193, %get3A_181 : vector<1024x128xf32>
    %add3A_195 = vector.broadcast %get3A_133 : vector<1024x1xf32> to vector<1024x128xf32>
    %add3A_196 = arith.addf %add3A_195, %mul3A_194 : vector<1024x128xf32>
    %convert_element_type3A_197 = arith.truncf %add3A_196 : vector<1024x128xf32> to vector<1024x128xbf16>
    %convert_element_type3A_198 = arith.extf %convert_element_type3A_197 : vector<1024x128xbf16> to vector<1024x128xf32>
    %mul3A_199 = vector.broadcast %get3A_74 : f32 to vector<1024x128xf32>
    %mul3A_200 = arith.mulf %mul3A_199, %convert_element_type3A_186 : vector<1024x128xf32>
    %mul3A_201 = vector.broadcast %get3A_78 : f32 to vector<1024x128xf32>
    %mul3A_202 = arith.mulf %mul3A_201, %convert_element_type3A_192 : vector<1024x128xf32>
    %add3A_203 = arith.addf %mul3A_200, %mul3A_202 : vector<1024x128xf32>
    %mul3A_204 = vector.broadcast %get3A_82 : f32 to vector<1024x128xf32>
    %mul3A_205 = arith.mulf %mul3A_204, %convert_element_type3A_198 : vector<1024x128xf32>
    %add3A_206 = arith.addf %add3A_203, %mul3A_205 : vector<1024x128xf32>
    %add3A_207 = vector.broadcast %get3A_70 : f32 to vector<1024x128xf32>
    %add3A_208 = arith.addf %add3A_206, %add3A_207 : vector<1024x128xf32>
    %convert_element_type3A_209 = arith.truncf %add3A_208 : vector<1024x128xf32> to vector<1024x128xbf16>
    %convert_element_type3A_210 = arith.extf %convert_element_type3A_209 : vector<1024x128xbf16> to vector<1024x128xf32>
    %abs3A = math.absf %convert_element_type3A_210 : vector<1024x128xf32>
    %gt3A = arith.constant 9.99999997E-7 : f32
    %gt3A_211 = vector.broadcast %gt3A : f32 to vector<1024x128xf32>
    %gt3A_212 = arith.cmpf ogt, %abs3A, %gt3A_211 : vector<1024x128xf32>
    %jit3A = arith.constant 9.99999997E-7 : f32
    %broadcast_in_dim3A = vector.broadcast %jit3A : f32 to vector<1024x128xf32>
    %select_n3A = arith.select %gt3A_212, %convert_element_type3A_210, %broadcast_in_dim3A : vector<1024x128xi1>, vector<1024x128xf32>
    %div3A = arith.constant 1.000000e+00 : f32
    %div3A_213 = vector.broadcast %div3A : f32 to vector<1024x128xf32>
    %div3A_214 = arith.divf %div3A_213, %select_n3A : vector<1024x128xf32>
    %mul3A_215 = vector.broadcast %add3A_160 : vector<1024x1xf32> to vector<1024x128xf32>
    %mul3A_216 = arith.mulf %mul3A_215, %get3A_181 : vector<1024x128xf32>
    %add3A_217 = vector.broadcast %add3A_152 : vector<1024x1xf32> to vector<1024x128xf32>
    %add3A_218 = arith.addf %add3A_217, %mul3A_216 : vector<1024x128xf32>
    %mul3A_219 = vector.broadcast %add3A_178 : vector<1024x1xf32> to vector<1024x128xf32>
    %mul3A_220 = arith.mulf %mul3A_219, %get3A_181 : vector<1024x128xf32>
    %add3A_221 = vector.broadcast %add3A_170 : vector<1024x1xf32> to vector<1024x128xf32>
    %add3A_222 = arith.addf %add3A_221, %mul3A_220 : vector<1024x128xf32>
    %mul3A_223 = arith.mulf %add3A_218, %div3A_214 : vector<1024x128xf32>
    %mul3A_224 = vector.broadcast %get3A_122 : f32 to vector<1024x128xf32>
    %mul3A_225 = arith.mulf %mul3A_223, %mul3A_224 : vector<1024x128xf32>
    %sub3A = arith.constant 1.000000e+00 : f32
    %sub3A_226 = vector.broadcast %sub3A : f32 to vector<1024x128xf32>
    %sub3A_227 = arith.subf %mul3A_225, %sub3A_226 : vector<1024x128xf32>
    %mul3A_228 = arith.mulf %add3A_222, %div3A_214 : vector<1024x128xf32>
    %mul3A_229 = vector.broadcast %get3A_124 : f32 to vector<1024x128xf32>
    %mul3A_230 = arith.mulf %mul3A_228, %mul3A_229 : vector<1024x128xf32>
    %sub3A_231 = arith.constant 1.000000e+00 : f32
    %sub3A_232 = vector.broadcast %sub3A_231 : f32 to vector<1024x128xf32>
    %sub3A_233 = arith.subf %mul3A_230, %sub3A_232 : vector<1024x128xf32>
    %get3A_234 = arith.constant 0 : index
    %get3A_235 = arith.constant 0 : index
    %get3A_236 = vector.load %arg8[%get3A_234, %get3A_235] : memref<1024x128xi32, #tpu.memory_space<vmem>>, vector<1024x128xi32>
    %ge3A = arith.constant 0 : i32
    %ge3A_237 = vector.broadcast %ge3A : i32 to vector<1024x128xi32>
    %ge3A_238 = arith.cmpi sge, %get3A_236, %ge3A_237 : vector<1024x128xi32>
    %jit3A_239 = arith.constant -2.000000e+00 : f32
    %broadcast_in_dim3A_240 = vector.broadcast %jit3A_239 : f32 to vector<1024x128xf32>
    %select_n3A_241 = arith.select %ge3A_238, %sub3A_227, %broadcast_in_dim3A_240 : vector<1024x128xi1>, vector<1024x128xf32>
    %swap3A = arith.constant 0 : index
    %swap3A_242 = arith.constant 0 : index
    %swap3A_243 = arith.constant 0 : index
    %swap3A_244 = vector.load %arg9[%swap3A, %swap3A_242, %swap3A_243] : memref<1x1024x128xf32, #tpu.memory_space<vmem>>, vector<1x1024x128xf32>
    %swap3A_245 = vector.shape_cast %swap3A_244 : vector<1x1024x128xf32> to vector<1024x128xf32>
    %swap3A_246 = vector.shape_cast %select_n3A_241 : vector<1024x128xf32> to vector<1x1024x128xf32>
    tpu.vector_store %arg9[%swap3A, %swap3A_242, %swap3A_243], %swap3A_246 {strides = array<i32>} : memref<1x1024x128xf32, #tpu.memory_space<vmem>>, vector<1x1024x128xf32>,
    %jit3A_247 = arith.constant -2.000000e+00 : f32
    %broadcast_in_dim3A_248 = vector.broadcast %jit3A_247 : f32 to vector<1024x128xf32>
    %select_n3A_249 = arith.select %ge3A_238, %sub3A_233, %broadcast_in_dim3A_248 : vector<1024x128xi1>, vector<1024x128xf32>
    %swap3A_250 = arith.constant 0 : index
    %swap3A_251 = arith.constant 0 : index
    %swap3A_252 = arith.constant 0 : index
    %swap3A_253 = vector.load %arg10[%swap3A_250, %swap3A_251, %swap3A_252] : memref<1x1024x128xf32, #tpu.memory_space<vmem>>, vector<1x1024x128xf32>
    %swap3A_254 = vector.shape_cast %swap3A_253 : vector<1x1024x128xf32> to vector<1024x128xf32>
    %swap3A_255 = vector.shape_cast %select_n3A_249 : vector<1024x128xf32> to vector<1x1024x128xf32>
    tpu.vector_store %arg10[%swap3A_250, %swap3A_251, %swap3A_252], %swap3A_255 {strides = array<i32>} : memref<1x1024x128xf32, #tpu.memory_space<vmem>>, vector<1x1024x128xf32>,
    %jit3A_256 = arith.constant 0.000000e+00 : f32
    %broadcast_in_dim3A_257 = vector.broadcast %jit3A_256 : f32 to vector<1024x128xf32>
    %select_n3A_258 = arith.select %ge3A_238, %convert_element_type3A_210, %broadcast_in_dim3A_257 : vector<1024x128xi1>, vector<1024x128xf32>
    %swap3A_259 = arith.constant 0 : index
    %swap3A_260 = arith.constant 0 : index
    %swap3A_261 = arith.constant 0 : index
    %swap3A_262 = vector.load %arg11[%swap3A_259, %swap3A_260, %swap3A_261] : memref<1x1024x128xf32, #tpu.memory_space<vmem>>, vector<1x1024x128xf32>
    %swap3A_263 = vector.shape_cast %swap3A_262 : vector<1x1024x128xf32> to vector<1024x128xf32>
    %swap3A_264 = vector.shape_cast %select_n3A_258 : vector<1024x128xf32> to vector<1x1024x128xf32>
    tpu.vector_store %arg11[%swap3A_259, %swap3A_260, %swap3A_261], %swap3A_264 {strides = array<i32>} : memref<1x1024x128xf32, #tpu.memory_space<vmem>>, vector<1x1024x128xf32>,
    return
  }
  func.func @transform_0(%arg0: i32, %arg1: i32) -> i32 {
    %c0_i32 = arith.constant 0 : i32
    %c0_i32_0 = arith.constant 0 : i32
    return %c0_i32 : i32
  }
  func.func @transform_1(%arg0: i32, %arg1: i32) -> (i32, i32, i32) {
    %c0_i32 = arith.constant 0 : i32
    %c0_i32_0 = arith.constant 0 : i32
    %c0_i32_1 = arith.constant 0 : i32
    %c0_i32_2 = arith.constant 0 : i32
    return %c0_i32, %c0_i32_0, %c0_i32_1 : i32, i32, i32
  }
  func.func @transform_2(%arg0: i32, %arg1: i32) -> (i32, i32, i32) {
    %c0_i32 = arith.constant 0 : i32
    %c0_i32_0 = arith.constant 0 : i32
    %c0_i32_1 = arith.constant 0 : i32
    %c0_i32_2 = arith.constant 0 : i32
    return %c0_i32, %c0_i32_0, %c0_i32_1 : i32, i32, i32
  }
  func.func @transform_3(%arg0: i32, %arg1: i32) -> (i32, i32, i32) {
    %c0_i32 = arith.constant 0 : i32
    %c0_i32_0 = arith.constant 0 : i32
    %c0_i32_1 = arith.constant 0 : i32
    %c0_i32_2 = arith.constant 0 : i32
    return %c0_i32, %c0_i32_0, %c0_i32_1 : i32, i32, i32
  }
  func.func @transform_4(%arg0: i32, %arg1: i32) -> (i32, i32) {
    %c0_i32 = arith.constant 0 : i32
    %c0_i32_0 = arith.constant 0 : i32
    return %arg0, %c0_i32 : i32, i32
  }
  func.func @transform_5(%arg0: i32, %arg1: i32) -> (i32, i32) {
    %c0_i32 = arith.constant 0 : i32
    %c0_i32_0 = arith.constant 0 : i32
    return %arg0, %c0_i32 : i32, i32
  }
  func.func @transform_6(%arg0: i32, %arg1: i32) -> (i32, i32) {
    %c0_i32 = arith.constant 0 : i32
    %c0_i32_0 = arith.constant 0 : i32
    return %arg0, %c0_i32 : i32, i32
  }
  func.func @transform_7(%arg0: i32, %arg1: i32) -> (i32, i32, i32) {
    %c0_i32 = arith.constant 0 : i32
    %c0_i32_0 = arith.constant 0 : i32
    return %arg1, %arg0, %c0_i32 : i32, i32, i32
  }
  func.func @transform_8(%arg0: i32, %arg1: i32) -> (i32, i32, i32) {
    %c0_i32 = arith.constant 0 : i32
    %c0_i32_0 = arith.constant 0 : i32
    return %arg1, %arg0, %c0_i32 : i32, i32, i32
  }
  func.func @transform_9(%arg0: i32, %arg1: i32) -> (i32, i32, i32) {
    %c0_i32 = arith.constant 0 : i32
    %c0_i32_0 = arith.constant 0 : i32
    return %arg1, %arg0, %c0_i32 : i32, i32, i32
  }
}

</mosaic_0001>

<sc_bundles>
// kernel: sparse-core-data-format-call.cloned.1.call-start
scs
called_computation_lowered:
.L_overlay_start_0:
0x0: {  	s2 =	sld [smem:$0x3FD9]  }
0x1: {  	s3 =	sld [smem:$0x3FFE];
	_ =	sdelay $0x1  }
0x2: {  	s1 =	srdreg.scid  }
0x3: {  	s0 =	sand.u32 $0x1, s1  }
0x4: {  	s15 =	sshll.u32 s0, $0xA;
	s2 =	sadd.s32 s3, s2  }
0x5: {  	s2 =	sadd.s32 s2, s15  }
0x6: {  	[smem:$0x3FC0] =	sst s2  }
0x7: {  	_ = 	snop  }
0x8: {  	s2 =	sld [smem:$0x3FD0];
	_ =	sdelay $0x2  }
0x9: {  	s16 =	simm.s32 $0xA;
	s4 =	simm.s32 $0x10  }
0xa: {  	[smem:s4], [sflag:s16] =	dma.local [hbm:s2], $0x1  }
0xb: {  	_ =	swait.eq [sflag:s16], $0x1  }
0xc: {  	[sflag:s16] =	ssyncset.done $0x0  }
0xd: {  	[sflag:s16] =	ssyncadd.s32 $0xFFFFFFFF  }
0xe: {  	s17 =	sld [smem:$0x10];
	(tm) =	ssettm $0x1  }
0xf: {  	s18 =	sld [smem:$0x3FFB];
	_ =	sdelay $0x3  }
0x10: {  	_ =	strace s18  }
0x11: {  	s3 =	sld [smem:$0x3FFC];
	_ =	sdelay $0x3  }
0x12: {  	_ =	strace s3  }
0x13: {  	s3 =	sld [smem:$0x3FFD];
	_ =	sdelay $0x3  }
0x14: {  	_ =	strace s3  }
0x15: {  	_ =	strace $0x8FFFFFFF  }
0x16: {  	s19 =	sld [smem:$0x3FDB];
	_ =	sdelay $0x1  }
0x17: {  	s20 =	simm.s32 $_scs_section_size  }
0x18: {  	s5 =	simm.s32 $_size__tile_overlayer_lowered;
	s6 =	simm.s32 $_tile_overlayer_lowered  }
0x19: {  	s23 =	simm.s32 $0x1BFF;
	s22 =	sshll.u32 s6, $0x1;
	s3 =	sadd.s32 s20, s19  }
0x1a: {  	s7 =	simm.s32 $0x0;
	s21 =	sshll.u32 s5, $0x1;
	s5 =	sadd.s32 s22, s3  }
0x1b: {  	[timem:s7], [sflag:s23] =	dma.local [hbm:s5], s21  }
0x1c: {  	_ =	swait.ge [sflag:s23], s21  }
0x1d: {  	s4 =	ssub.s32 $0x0, s21;
	[sflag:s23] =	ssyncset.done $0x0  }
0x1e: {  	[sflag:s23] =	ssyncadd.s32 s4;
	_ =	sdelay $0x1  }
0x1f: {  	s24 =	simm.s32 $0x1B8B  }
0x20: {  	_ =	swait.ge [sflag:s24], $0x1  }
0x21: {  	[sflag:s24] =	ssyncset.done $0x0  }
0x22: {  	s26 =	simm.s32 $0x1B8E;
	s25 =	sld [smem:$0x3FFE];
	[sflag:s24] =	ssyncadd.s32 $0xFFFFFFFF  }
0x23: {  	s27 =	simm.s32 $execute0_lowered;
	[smem:$0x3FD2] =	sst s26  }
0x24: {  	s5 =	sshll.u32 s27, $0x1;
	_ =	strace $0x80000046;
	[dreg:$0x1] =	wrdreg $0xFFFFFFFF  }
0x25: {  	s28 =	simm.s32 $_size_execute0_lowered;
	s3 =	sadd.s32 s3, s5;
	[dreg:$0x0] =	wrdreg $0x0  }
0x26: {  	s5 =	sshll.u32 s28, $0x1;
	[dreg:$0x2] =	wrdreg s3  }
0x27: {  	[dreg:$0x3] =	wrdreg s5  }
0x28: {  	[dreg:$0x4] =	wrdreg $0xC0  }
0x29: {  	_ =	task [dreg:s7], $0x5FFFF  }
0x2a: {  	[dreg:$0x1] =	wrdreg $0xFFFFFFFF  }
0x2b: {  	[dreg:$0x0] =	wrdreg $0x60  }
0x2c: {  	[dreg:$0x2] =	wrdreg s25  }
0x2d: {  	[dreg:$0x3] =	wrdreg s17  }
0x2e: {  	[dreg:$0x4] =	wrdreg $0x9  }
0x2f: {  	_ =	task.clear_ibuf [dreg:s7], $0x5FFFF;
	_ =	strace $0x90000046  }
0x30: {  	s29 =	simm.s32 $0x9;
	_ =	strace $0x80000048  }
0x31: {  	_ =	swait.ge [sflag:s29], $0x1  }
0x32: {  	[sflag:s29] =	ssyncadd.s32 $0xFFFFFFFF  }
0x33: {  	_ =	strace $0x90000048  }
0x34: {  	_ =	sfence  }
0x35: {  	s30 =	sld [smem:$0x0];
	_ =	sdelay $0x2  }
0x36: {  	s31 =	sshll.u32 s1, $0xD;
	s1 =	sshrl.u32 s1, $0x2  }
0x37: {  	s3 =	sand.u32 $0x4000, s31;
	s1 =	sadd.s32 s1, s30  }
0x38: {  	s0 =	sor.u32 s3, s0;
	s1 =	sshll.u32 s1, $0x11  }
0x39: {  	s0 =	sor.u32 s1, s0  }
0x3a: {  	s0 =	sadd.s32 $0x8F2B, s0  }
0x3b: {  	[sflag:s0] =	ssyncadd.remote.s32 $0x1  }
0x3c: {  	_ =	sfence.sel $0xFFFF  }
0x3d: {  	[dreg:$0x0] =	wrdreg $0xFFFFFFFF;
	(pc) =	sbr.abs _section_cstart, $3  }
0x3e: {  	[dreg:$0x1] =	wrdreg $0xFFFFFFFF  }
0x3f: {  	_ =	task.clear_ibuf [dreg:s7], $0x2FFFF;
	_ =	strace $0x9FFFFFFF  }
0x40: {  	(tm) =	ssettm $0x7FFFFFFF  }
0x41: {  	_ =	shalt  }
tec
execute0_lowered:
.L_overlay_start_1:
0x0: {  	(tag) =	ssettag $0x1  }
0x1: {  	s1 =	srdreg.scid;
	s5 =	rddreg [dreg:$0x0]  }
0x2: {  	s0 =	stileid.u32;
	s4 =	rddreg [dreg:$0x1]  }
0x3: {  	s31 =	simm.s32 $0x2;
	s17 =	simm.s32 $0x0;
	s10 =	simm.s32 $0x80  }
0x4: {  	s11 =	simm.s32 $0x100;
	s12 =	simm.s32 $0x0;
	s18 =	simm.s32 $0x0  }
0x5: {  	s19 =	simm.s32 $0x0;
	s16 =	simm.s32 $0x0;
	s1 =	sshll.u32 s1, $0x7  }
0x6: {  	s2 =	sand.u32 $0x1, s0;
	s5 =	sadd.s32 $0x80C00, s5;
	s3 =	sand.u32 $0x80, s1  }
0x7: {  	s6 =	ssub.s32 $0x2, s2;
	s1 =	rddreg [dreg:$0x2];
	s7 =	ssub.s32 $0x1000, s3  }
0x8: {  	s8 =	sshrl.u32 s6, $0x1;
	s6 =	sand.u32 $0x1, s6;
	s9 =	sshrl.u32 s7, $0x7  }
.Ltmp0:
0x9: {  	s7 =	sshrl.u32 s7, $0x8;
	s9 =	sand.u32 $0x1, s9;
	(pc) =	sbr.rel .LBB1_1-.Ltmp0, $4  }
0xa: {  	_ =	strace $0x80000047;
	s8 =	sadd.s32 s6, s8;
	s7 =	sadd.s32 s7, s9  }
0xb: {  	s15 =	smov.u32 s2;
	s6 =	simm.s32 $0x1;
	s7 =	smul.u32 s8, s7  }
0xc: {  	s13 =	smov.u32 s3;
	[sflag:s6] =	ssyncpa.u1 $0x0;
	s8 =	sshrl.u32 s0, $0x1  }
0xd: {  	[sflag:s31] =	ssyncpa.u1 $0x0;
	s14 =	smov.u32 s8;
	s9 =	sadd.s32 $0x1, s7  }
.LBB1_4:
0xe: {  	_ =	sdelay $0x3  }
0xf: {  	[tilespmem:v0+s21+$0xFFFFFFA0 ss:$0x1] =	vst.idx.msk $0xffff, v6  }
0x10: {  	v56 =	vld.idx.msk [tilespmem:v1+s22+$0x30 ss:$0x1], $0xffff;
	[tilespmem:v0+s21+$0xFFFFFFB0 ss:$0x1] =	vst.idx.msk $0xffff, v4  }
0x11: {  	v57 =	vld.idx.msk [tilespmem:v1+s22+$0xFFFFFFC0 ss:$0x1], $0xffff;
	[tilespmem:v0+s21+$0xFFFFFFC0 ss:$0x1] =	vst.idx.msk $0xffff, v2  }
0x12: {  	v58 =	vld.idx.msk [tilespmem:v1+s22+$0xFFFFFFD0 ss:$0x1], $0xffff;
	[tilespmem:v0+s21+$0xFFFFFFD0 ss:$0x1] =	vst.idx.msk $0xffff, v3  }
0x13: {  	v59 =	vld.idx.msk [tilespmem:v1+s22+$0xFFFFFFE0 ss:$0x1], $0xffff;
	[tilespmem:v0+s21+$0xFFFFFFE0 ss:$0x1] =	vst.idx.msk $0xffff, v5  }
0x14: {  	v60 =	vld.idx.msk [tilespmem:v1+s22+$0xFFFFFFF0 ss:$0x1], $0xffff;
	[tilespmem:v0+s21+$0xFFFFFFF0 ss:$0x1] =	vst.idx.msk $0xffff, v7  }
0x15: {  	v61 =	vld.idx.msk [tilespmem:v1+s22+$0x0 ss:$0x1], $0xffff;
	[tilespmem:v0+s22+$0x0 ss:$0x1] =	vst.idx.msk $0xffff, v56  }
0x16: {  	v62 =	vld.idx.msk [tilespmem:v1+s22+$0x10 ss:$0x1], $0xffff;
	[tilespmem:v0+s22+$0xFFFFFF90 ss:$0x1] =	vst.idx.msk $0xffff, v57  }
0x17: {  	v63 =	vld.idx.msk [tilespmem:v1+s22+$0x20 ss:$0x1], $0xffff;
	[tilespmem:v0+s22+$0xFFFFFFA0 ss:$0x1] =	vst.idx.msk $0xffff, v58  }
0x18: {  	[tilespmem:v0+s22+$0xFFFFFFB0 ss:$0x1] =	vst.idx.msk $0xffff, v59  }
0x19: {  	s18 =	sshll.u32 s18, $0x11;
	s19 =	sshll.u32 s19, $0x4;
	[tilespmem:v0+s22+$0xFFFFFFC0 ss:$0x1] =	vst.idx.msk $0xffff, v60  }
0x1a: {  	s19 =	sand.u32 $0x10, s19;
	s18 =	sadd.s32 s4, s18;
	[tilespmem:v0+s22+$0xFFFFFFD0 ss:$0x1] =	vst.idx.msk $0xffff, v61  }
0x1b: {  	s17 =	sshll.u32 s17, $0x5;
	s18 =	sadd.s32 s19, s18;
	[tilespmem:v0+s22+$0xFFFFFFE0 ss:$0x1] =	vst.idx.msk $0xffff, v62  }
0x1c: {  	s17 =	sadd.s32 s17, s18;
	[tilespmem:v0+s22+$0xFFFFFFF0 ss:$0x1] =	vst.idx.msk $0xffff, v63  }
0x1d: {  	[hbm4b:s17+s10] =	stream.strided.scatter [tilespmem:s20], [sflag:$0x2], $0x4000, s11, s10, $0x38;
	[tilespmem:$0x10000] =	vst v63  }
.LBB1_5:
0x1e: {  	s20 =	sadd.s32 $0x100, s13  }
0x1f: {  	s17 =	sadd.s32 $0x8, s14;
	s21 =	smov.u32 s14;
	p1 =	sgt.s32 s20, $0xFFF  }
0x20: {  	s21 =	smov.u32 @p1 s17  }
0x21: {  	s23 =	smov.u32 s15;
	s17 =	sadd.s32 $0x2, s15;
	p2 =	sgt.s32 s21, $0x7  }
0x22: {  	s23 =	smov.u32 @p2 s17  }
0x23: {  	s20 =	smov.u32 @p1 s3;
	p1 =	sgt.s32 s23, $0x1  }
0x24: {  	p0 =	slt.u32 s16, $0x2;
	s23 =	smov.u32 @p1 s2;
	p1 =	sne.s32 s16, s9  }
.Ltmp1:
0x25: {  	s22 =	simm.s32 @!p0 $0x2;
	(pc) =	sbr.rel @!p1 .LBB1_6-.Ltmp1, $4  }
0x26: {  	s18 =	smov.u32 s14;
	s19 =	smov.u32 s15;
	_ =	swait.ge @!p0 [sflag:s22], $0x4000  }
0x27: {  	s12 =	sadd.s32 $0x4000, s12;
	[sflag:s22] =	ssyncset.done @!p0 $0x0;
	s21 =	smov.u32 @p2 s8  }
0x28: {  	s17 =	smov.u32 s13;
	[sflag:s22] =	ssyncadd.s32 @!p0 $0xFFFFC000;
	s13 =	smov.u32 s20  }
0x29: {  	s14 =	smov.u32 s21;
	s16 =	sadd.s32 $0x1, s16;
	s15 =	smov.u32 s23  }
.LBB1_1:
0x2a: {  	p0 =	sge.u32 s16, s7  }
0x2b: {  	s31 =	sadd.s32 $0xFFFFFFFF, s16;
	s20 =	sxor.u32 @!p0 $0xFFFFFFFF, s16;
	s21 =	sshll.u32 @!p0 s15, $0x13  }
0x2c: {  	s22 =	sshll.u32 @!p0 s14, $0x10;
	s23 =	sshll.u32 @!p0 s13, $0x4;
	s21 =	sadd.s32 @!p0 s5, s21  }
0x2d: {  	s20 =	sshll.u32 @!p0 s20, $0xE;
	s23 =	sand.u32 @!p0 $0xFFF0, s23;
	s21 =	sadd.s32 @!p0 s22, s21  }
0x2e: {  	s20 =	sand.u32 @!p0 $0x4000, s20;
	s22 =	simm.s32 @!p0 $0x0;
	s21 =	sadd.s32 @!p0 s23, s21  }
0x2f: {  	[tilespmem:s20], [sflag:$0x1] =	stream.linear.gather @!p0 [hbm4b:s21+s22], $0x4000, $0x38;
	[tilespmem:$0x10000] =	vst v63  }
0x30: {  	p0 =	sge.u32 s31, s7  }
.Ltmp2:
0x31: {  	_ = 	snop;
	(pc) =	sbr.rel @p0 .LBB1_5-.Ltmp2, $1  }
0x32: {  	_ =	sdelay $0x3  }
0x33: {  	s20 =	sand.u32 $0x4000, s12  }
0x34: {  	s21 =	sor.u32 $0x40, s20  }
0x35: {  	v1 =	vmov s21;
	_ =	sdelay $0x1  }
0x36: {  	_ =	swait.ge [sflag:s6], $0x4000  }
0x37: {  	[sflag:s6] =	ssyncset.done $0x0  }
0x38: {  	[sflag:s6] =	ssyncadd.s32 $0xFFFFC000;
	s21 =	simm.s32 $0x0  }
0x39: {  	s20 =	sor.u32 $0x8070, s20;
	v7 =	vld.idx.msk [tilespmem:v1+s21+$0x30 ss:$0x1], $0xffff  }
0x3a: {  	v0 =	vmov s20;
	v8 =	vld.idx.msk [tilespmem:v1+s21+$0xFFFFFFC0 ss:$0x1], $0xffff  }
0x3b: {  	v6 =	vld.idx.msk [tilespmem:v1+s21+$0xFFFFFFD0 ss:$0x1], $0xffff  }
0x3c: {  	v4 =	vld.idx.msk [tilespmem:v1+s21+$0xFFFFFFE0 ss:$0x1], $0xffff  }
0x3d: {  	v2 =	vld.idx.msk [tilespmem:v1+s21+$0xFFFFFFF0 ss:$0x1], $0xffff  }
0x3e: {  	s31 =	sshll.u32 s16, $0xE;
	v3 =	vld.idx.msk [tilespmem:v1+s21+$0x0 ss:$0x1], $0xffff  }
0x3f: {  	s20 =	sand.u32 $0x4000, s31;
	v5 =	vld.idx.msk [tilespmem:v1+s21+$0x10 ss:$0x1], $0xffff;
	[tilespmem:v0+s21+$0x0 ss:$0x1] =	vst.idx.msk $0xffff, v7  }
0x40: {  	s22 =	simm.s32 $0x80;
	s23 =	simm.s32 $0x400;
	s20 =	sor.u32 $0x8000, s20;
	[tilespmem:v0+s21+$0xFFFFFF90 ss:$0x1] =	vst.idx.msk $0xffff, v8;
	v7 =	vld.idx.msk [tilespmem:v1+s21+$0x20 ss:$0x1], $0xffff  }
.LBB1_3:
0x41: {  	p0 =	sne.s32 s23, $0xFE00;
	v8 =	vld.idx.msk [tilespmem:v1+s22+$0x30 ss:$0x1], $0xffff;
	[tilespmem:v0+s21+$0xFFFFFFA0 ss:$0x1] =	vst.idx.msk $0xffff, v6  }
0x42: {  	v9 =	vld.idx.msk [tilespmem:v1+s22+$0xFFFFFFC0 ss:$0x1], $0xffff;
	[tilespmem:v0+s21+$0xFFFFFFB0 ss:$0x1] =	vst.idx.msk $0xffff, v4  }
0x43: {  	v6 =	vld.idx.msk [tilespmem:v1+s22+$0xFFFFFFD0 ss:$0x1], $0xffff;
	[tilespmem:v0+s21+$0xFFFFFFC0 ss:$0x1] =	vst.idx.msk $0xffff, v2  }
.Ltmp3:
0x44: {  	v4 =	vld.idx.msk [tilespmem:v1+s22+$0xFFFFFFE0 ss:$0x1], $0xffff;
	[tilespmem:v0+s21+$0xFFFFFFD0 ss:$0x1] =	vst.idx.msk $0xffff, v3;
	(pc) =	sbr.rel @p0 .LBB1_3-.Ltmp3, $4  }
0x45: {  	v2 =	vld.idx.msk [tilespmem:v1+s22+$0xFFFFFFF0 ss:$0x1], $0xffff;
	[tilespmem:v0+s21+$0xFFFFFFE0 ss:$0x1] =	vst.idx.msk $0xffff, v5  }
0x46: {  	v3 =	vld.idx.msk [tilespmem:v1+s22+$0x0 ss:$0x1], $0xffff;
	[tilespmem:v0+s21+$0xFFFFFFF0 ss:$0x1] =	vst.idx.msk $0xffff, v7;
	s21 =	smov.u32 s22  }
0x47: {  	v5 =	vld.idx.msk [tilespmem:v1+s21+$0x10 ss:$0x1], $0xffff;
	[tilespmem:v0+s21+$0x0 ss:$0x1] =	vst.idx.msk $0xffff, v8  }
0x48: {  	s22 =	sshra.s32 s23, $0x2;
	s23 =	sadd.s32 $0x200, s23;
	[tilespmem:v0+s21+$0xFFFFFF90 ss:$0x1] =	vst.idx.msk $0xffff, v9;
	v7 =	vld.idx.msk [tilespmem:v1+s21+$0x20 ss:$0x1], $0xffff  }
.Ltmp4:
0x49: {  	_ = 	snop;
	(pc) =	sbr.rel .LBB1_4-.Ltmp4, $1  }
0x4a: {  	_ =	sdelay $0x3  }
.LBB1_6:
0x4b: {  	_ =	sfence.sel $0x180000  }
0x4c: {  	s2 =	simm.s32 $0x1;
	[bflag:$0x0] =	sbarrier.arrive $0xFFFF  }
0x4d: {  	s31 =	simm.s32 $0x2;
	[sflag:s2] =	ssyncpa.u1 $0x1  }
0x4e: {  	[sflag:s31] =	ssyncpa.u1 $0x1  }
0x4f: {  	p0 =	sne.s32 s0, $0x0;
	_ =	strace $0x90000047  }
0x50: {  	s0 =	sadd.s32 @!p0 $0x100000, s1;
	[bflag:$0x2] =	sbarrier.arrive $0xFFFF  }
0x51: {  	[sflag:s0] =	ssyncadd.tile.s32 @!p0 $0x1;
	_ =	shalt  }
.Lfunc_end1:
_tile_overlayer_lowered:
.L_overlay_start_2:
0x52: {  	(tag) =	ssettag $0x2  }
0x53: {  	s0 =	rddreg [dreg:$0x0];
	s2 =	stileid.u32  }
0x54: {  	s1 =	rddreg [dreg:$0x1];
	p0 =	sne.s32 s2, $0x0  }
0x55: {  	s3 =	rddreg [dreg:$0x2];
	[bflag:$0x3] =	sbarrier.arrive $0xFFFF;
	s2 =	simm.s32 @!p0 $0x1C01  }
0x56: {  	[timem:s3], [sflag:s2] =	dma.local @!p0 [hbm:s0], s1  }
0x57: {  	s0 =	simm.s32 @!p0 $0x1  }
0x58: {  	_ =	swait.ge @!p0 [sflag:s0], s1  }
0x59: {  	s1 =	ssub.s32 @!p0 $0x0, s1;
	[sflag:s0] =	ssyncset.done @!p0 $0x0  }
0x5a: {  	[sflag:s0] =	ssyncadd.s32 @!p0 s1  }
0x5b: {  	[bflag:$0x3] =	sbarrier.arrive $0xFFFF  }
0x5c: {  	_ =	shalt  }

</sc_bundles>
